<compile_context>
chip_gen: v7x
topology: tpu7x:2x2x1
jax: 0.10.2.dev20260603
libtpu: 0.0.44.dev20260713+nightly
codegen_flags: <defaults>
</compile_context>

<pallas_src>
import jax
import jax.numpy as jnp
from jax import lax
from jax.experimental import pallas as pl
from jax.experimental.pallas import tpu as pltpu
from jax.experimental.pallas import tpu_sc as plsc

NC = 2
NS = 16
NW = NC * NS
CHUNK = 128


def _make_gather(B, D, sgroup, nbuf_s):
    assert B % (NW * CHUNK) == 0
    b_per_w = B // NW
    n_chunks = b_per_w // CHUNK
    assert n_chunks % sgroup == 0
    n_sg = n_chunks // sgroup
    assert n_sg % nbuf_s == 0

    def body(x_hbm, table_hbm, out_hbm, idx_all, rows, *sems):
        gsem = sems[:nbuf_s]
        ssem = sems[nbuf_s:]
        wid = lax.axis_index("s") * NC + lax.axis_index("c")

        pltpu.sync_copy(x_hbm.at[wid], idx_all)

        def gather_desc(sg, ss, j):
            src = table_hbm.at[idx_all.at[sg * sgroup + j]]
            return pltpu.make_async_copy(src, rows.at[ss, j], gsem[ss])

        def store_desc(sg, ss):
            dst = out_hbm.at[wid * n_sg + sg]
            return pltpu.make_async_copy(rows.at[ss], dst, ssem[ss])

        for j in range(sgroup):
            gather_desc(0, 0, j).start()

        def outer(SG, carry):
            for ss in range(nbuf_s):
                sg = SG * nbuf_s + ss
                for j in range(sgroup):
                    gather_desc(sg, ss, j).wait()
                store_desc(sg, ss).start()

                nss = (ss + 1) % nbuf_s

                @pl.when(sg + 1 < n_sg)
                def _(sg=sg, nss=nss):
                    @pl.when(sg + 1 - nbuf_s >= 0)
                    def _():
                        store_desc(sg + 1 - nbuf_s, nss).wait()

                    for j in range(sgroup):
                        gather_desc(sg + 1, nss, j).start()

            return carry

        lax.fori_loop(0, n_sg // nbuf_s, outer, 0)

        for k in range(max(n_sg - nbuf_s, 0), n_sg):
            store_desc(k, k % nbuf_s).wait()

    return pl.kernel(
        body,
        out_type=jax.ShapeDtypeStruct((NW * n_sg, sgroup, CHUNK, D), jnp.float32),
        mesh=plsc.VectorSubcoreMesh(core_axis_name="c", subcore_axis_name="s"),
        scratch_types=[
            pltpu.VMEM((n_chunks, CHUNK), jnp.int32),
            pltpu.VMEM((nbuf_s, sgroup, CHUNK, D), jnp.float32),
        ]
        + [pltpu.SemaphoreType.DMA] * (2 * nbuf_s),
    )


@jax.jit
def kernel(x, table):
    S0, S1 = x.shape
    V, D = table.shape
    B = S0 * S1
    xf = x.reshape(NW, (B // NW) // CHUNK, CHUNK).astype(jnp.int32)
    out = _make_gather(B, D, sgroup=2, nbuf_s=2)(xf, table)
    return out.reshape(S0, S1, D)

# --- scband reference (transcript-rebuilt; emitter-appended) ---
"""Pipeline reference for scband-embedding-4166118277735 (READ-ONLY COPY).

The authoritative reference and input builder live on the scoring server;
editing this copy changes nothing except your own understanding.
"""

import jax, jax.numpy as jnp
import numpy as np

VOCAB = 100000
D_MODEL = 128

def setup_inputs(seed: int = 0) -> dict:
    key = jax.random.key(seed)
    k_idx, k_tab = jax.random.split(key)
    x = jax.random.randint(k_idx, (4096, 200), 0, VOCAB, dtype=jnp.int64 if jax.config.jax_enable_x64 else jnp.int32)
    table = jax.random.normal(k_tab, (VOCAB, D_MODEL), dtype=jnp.float32)
    return {"x": x, "table": table}

def reference(x, table):
    # nn.Embedding forward: row gather from the embedding table
    return jnp.take(table, x, axis=0)

if __name__ == "__main__":
    import jax
    _d = setup_inputs()
    print(jax.jit(kernel)(*tuple(_d.values())))

</pallas_src>

<mosaic_0001>
#map = affine_map<(d0, d1) -> (0, 0, 0)>
#map1 = affine_map<(d0, d1) -> (0, 0)>
#map2 = affine_map<(d0, d1) -> (0, 0, 0, 0)>
module attributes {stable_mosaic.version = 14 : i64} {
  func.func @body(%arg0: i32, %arg1: i32, %arg2: memref<32x200x128xi32, #tpu.memory_space<hbm>>, %arg3: memref<100000x128xf32, #tpu.memory_space<hbm>>, %arg4: memref<3200x2x128x128xf32, #tpu.memory_space<hbm>>, %arg5: memref<200x128xi32, #tpu.memory_space<vmem>>, %arg6: memref<2x2x128x128xf32, #tpu.memory_space<vmem>>, %arg7: memref<!tpu.dma_semaphore, #tpu.memory_space<semaphore_mem>>, %arg8: memref<!tpu.dma_semaphore, #tpu.memory_space<semaphore_mem>>, %arg9: memref<!tpu.dma_semaphore, #tpu.memory_space<semaphore_mem>>, %arg10: memref<!tpu.dma_semaphore, #tpu.memory_space<semaphore_mem>>) attributes {dimension_semantics = [#tpu.dimension_semantics<core_parallel>, #tpu.dimension_semantics<subcore_parallel>], iteration_bounds = array<i64: 2, 16>, scalar_prefetch = 0 : i64, scratch_operands = 6 : i64, tpu.core_type = #tpu.core_type<sc_vector_subcore>, window_params = [{transform_indices = #map}, {transform_indices = #map1}, {transform_indices = #map2}]} {
    %mul3A = arith.constant 2 : i32
    %mul3A_0 = arith.muli %arg1, %mul3A : i32
    %add3A = arith.addi %mul3A_0, %arg0 : i32
    "tpu.region"() ({
      %run_scoped3A = tpu.sem_alloc : memref<!tpu.dma_semaphore, #tpu.memory_space<semaphore_mem>>
      %dma_start3A_80 = arith.constant 0 : i32
      %dma_start3A_81 = arith.constant 0 : i32
      %dma_start3A_82 = tpu.memref_slice %arg2[%add3A, %dma_start3A_80, %dma_start3A_81] : memref<32x200x128xi32, #tpu.memory_space<hbm>> -> memref<1x200x128xi32, #tpu.memory_space<hbm>>
      %dma_start3A_83 = tpu.memref_squeeze %dma_start3A_82 : memref<1x200x128xi32, #tpu.memory_space<hbm>> -> memref<200x128xi32, #tpu.memory_space<hbm>>
      %dma_start3A_84 = arith.constant 0 : i32
      %dma_start3A_85 = arith.constant 0 : i32
      %dma_start3A_86 = tpu.memref_slice %arg2[%add3A, %dma_start3A_84, %dma_start3A_85] : memref<32x200x128xi32, #tpu.memory_space<hbm>> -> memref<1x200x128xi32, #tpu.memory_space<hbm>>
      %dma_start3A_87 = tpu.memref_squeeze %dma_start3A_86 : memref<1x200x128xi32, #tpu.memory_space<hbm>> -> memref<200x128xi32, #tpu.memory_space<hbm>>
      tpu.enqueue_dma source(%dma_start3A_87 : memref<200x128xi32, #tpu.memory_space<hbm>>) target(%arg5 : memref<200x128xi32, #tpu.memory_space<vmem>>) target_semaphore(%run_scoped3A : memref<!tpu.dma_semaphore, #tpu.memory_space<semaphore_mem>>)
      %dma_wait3A_88 = arith.constant 0 : i32
      %dma_wait3A_89 = arith.constant 0 : i32
      %dma_wait3A_90 = tpu.memref_slice %arg2[%add3A, %dma_wait3A_88, %dma_wait3A_89] : memref<32x200x128xi32, #tpu.memory_space<hbm>> -> memref<1x200x128xi32, #tpu.memory_space<hbm>>
      %dma_wait3A_91 = tpu.memref_squeeze %dma_wait3A_90 : memref<1x200x128xi32, #tpu.memory_space<hbm>> -> memref<200x128xi32, #tpu.memory_space<hbm>>
      %dma_wait3A_92 = arith.constant 0 : i32
      %dma_wait3A_93 = arith.constant 0 : i32
      %dma_wait3A_94 = tpu.memref_slice %arg2[%add3A, %dma_wait3A_92, %dma_wait3A_93] : memref<32x200x128xi32, #tpu.memory_space<hbm>> -> memref<1x200x128xi32, #tpu.memory_space<hbm>>
      %dma_wait3A_95 = tpu.memref_squeeze %dma_wait3A_94 : memref<1x200x128xi32, #tpu.memory_space<hbm>> -> memref<200x128xi32, #tpu.memory_space<hbm>>
      tpu.wait_dma2 semaphore(%run_scoped3A : memref<!tpu.dma_semaphore, #tpu.memory_space<semaphore_mem>>) src(%dma_wait3A_95 : memref<200x128xi32, #tpu.memory_space<hbm>>) dst(%arg5 : memref<200x128xi32, #tpu.memory_space<vmem>>)
      tpu.yield
    }) : () -> ()
    %dma_start3A = arith.constant 0 : i32
    %dma_start3A_1 = arith.constant 0 : i32
    %dma_start3A_2 = arith.constant 0 : i32
    %dma_start3A_3 = arith.constant 0 : i32
    %dma_start3A_4 = arith.constant 0 : i32
    %dma_start3A_5 = tpu.memref_slice %arg6[%dma_start3A_1, %dma_start3A_2, %dma_start3A_3, %dma_start3A_4] : memref<2x2x128x128xf32, #tpu.memory_space<vmem>> -> memref<1x1x128x128xf32, #tpu.memory_space<vmem>>
    %dma_start3A_6 = tpu.memref_squeeze %dma_start3A_5 : memref<1x1x128x128xf32, #tpu.memory_space<vmem>> -> memref<128x128xf32, #tpu.memory_space<vmem>>
    %dma_start3A_7 = arith.constant 0 : i32
    %dma_start3A_8 = tpu.memref_slice %arg5[%dma_start3A, %dma_start3A_7] : memref<200x128xi32, #tpu.memory_space<vmem>> -> memref<1x128xi32, #tpu.memory_space<vmem>>
    %dma_start3A_9 = tpu.memref_squeeze %dma_start3A_8 : memref<1x128xi32, #tpu.memory_space<vmem>> -> memref<128xi32, #tpu.memory_space<vmem>>
    %dma_start3A_10 = arith.constant 0 : i32
    %dma_start3A_11 = arith.constant 0 : i32
    %dma_start3A_12 = tpu.memref_slice %arg3[%dma_start3A_10, %dma_start3A_11] : memref<100000x128xf32, #tpu.memory_space<hbm>> -> memref<100000x128xf32, #tpu.memory_space<hbm>>
    tpu.enqueue_indirect_dma source(%dma_start3A_12 : memref<100000x128xf32, #tpu.memory_space<hbm>>) target(%dma_start3A_6 : memref<128x128xf32, #tpu.memory_space<vmem>>) offsets(%dma_start3A_9 : memref<128xi32, #tpu.memory_space<vmem>>) semaphore(%arg7 : memref<!tpu.dma_semaphore, #tpu.memory_space<semaphore_mem>>)
    %dma_start3A_13 = arith.constant 1 : i32
    %dma_start3A_14 = arith.constant 0 : i32
    %dma_start3A_15 = arith.constant 1 : i32
    %dma_start3A_16 = arith.constant 0 : i32
    %dma_start3A_17 = arith.constant 0 : i32
    %dma_start3A_18 = tpu.memref_slice %arg6[%dma_start3A_14, %dma_start3A_15, %dma_start3A_16, %dma_start3A_17] : memref<2x2x128x128xf32, #tpu.memory_space<vmem>> -> memref<1x1x128x128xf32, #tpu.memory_space<vmem>>
    %dma_start3A_19 = tpu.memref_squeeze %dma_start3A_18 : memref<1x1x128x128xf32, #tpu.memory_space<vmem>> -> memref<128x128xf32, #tpu.memory_space<vmem>>
    %dma_start3A_20 = arith.constant 0 : i32
    %dma_start3A_21 = tpu.memref_slice %arg5[%dma_start3A_13, %dma_start3A_20] : memref<200x128xi32, #tpu.memory_space<vmem>> -> memref<1x128xi32, #tpu.memory_space<vmem>>
    %dma_start3A_22 = tpu.memref_squeeze %dma_start3A_21 : memref<1x128xi32, #tpu.memory_space<vmem>> -> memref<128xi32, #tpu.memory_space<vmem>>
    %dma_start3A_23 = arith.constant 0 : i32
    %dma_start3A_24 = arith.constant 0 : i32
    %dma_start3A_25 = tpu.memref_slice %arg3[%dma_start3A_23, %dma_start3A_24] : memref<100000x128xf32, #tpu.memory_space<hbm>> -> memref<100000x128xf32, #tpu.memory_space<hbm>>
    tpu.enqueue_indirect_dma source(%dma_start3A_25 : memref<100000x128xf32, #tpu.memory_space<hbm>>) target(%dma_start3A_19 : memref<128x128xf32, #tpu.memory_space<vmem>>) offsets(%dma_start3A_22 : memref<128xi32, #tpu.memory_space<vmem>>) semaphore(%arg7 : memref<!tpu.dma_semaphore, #tpu.memory_space<semaphore_mem>>)
    %scan3A = arith.constant 0 : i32
    %scan3A_26 = arith.constant 0 : i32
    %scan3A_27 = arith.constant 50 : i32
    %scan3A_28 = arith.addi %scan3A_26, %scan3A_27 : i32
    %scan3A_29 = arith.constant 1 : i32
    scf.for %scan3A_80 = %scan3A_26 to %scan3A_28 step %scan3A_29  : i32 {
      %mul3A_81 = arith.constant 2 : i32
      %mul3A_82 = arith.muli %scan3A_80, %mul3A_81 : i32
      %add3A_83 = arith.constant 0 : i32
      %add3A_84 = arith.addi %mul3A_82, %add3A_83 : i32
      %mul3A_85 = arith.constant 2 : i32
      %mul3A_86 = arith.muli %add3A_84, %mul3A_85 : i32
      %add3A_87 = arith.constant 0 : i32
      %add3A_88 = arith.addi %mul3A_86, %add3A_87 : i32
      %dma_wait3A_89 = arith.constant 0 : i32
      %dma_wait3A_90 = arith.constant 0 : i32
      %dma_wait3A_91 = arith.constant 0 : i32
      %dma_wait3A_92 = arith.constant 0 : i32
      %dma_wait3A_93 = tpu.memref_slice %arg6[%dma_wait3A_89, %dma_wait3A_90, %dma_wait3A_91, %dma_wait3A_92] : memref<2x2x128x128xf32, #tpu.memory_space<vmem>> -> memref<1x1x128x128xf32, #tpu.memory_space<vmem>>
      %dma_wait3A_94 = tpu.memref_squeeze %dma_wait3A_93 : memref<1x1x128x128xf32, #tpu.memory_space<vmem>> -> memref<128x128xf32, #tpu.memory_space<vmem>>
      %dma_wait3A_95 = arith.constant 0 : i32
      %dma_wait3A_96 = tpu.memref_slice %arg5[%add3A_88, %dma_wait3A_95] : memref<200x128xi32, #tpu.memory_space<vmem>> -> memref<1x128xi32, #tpu.memory_space<vmem>>
      %dma_wait3A_97 = tpu.memref_squeeze %dma_wait3A_96 : memref<1x128xi32, #tpu.memory_space<vmem>> -> memref<128xi32, #tpu.memory_space<vmem>>
      %dma_wait3A_98 = arith.constant 0 : i32
      %dma_wait3A_99 = arith.constant 0 : i32
      %dma_wait3A_100 = tpu.memref_slice %arg3[%dma_wait3A_98, %dma_wait3A_99] : memref<100000x128xf32, #tpu.memory_space<hbm>> -> memref<100000x128xf32, #tpu.memory_space<hbm>>
      tpu.wait_indirect_dma semaphore(%arg7 : memref<!tpu.dma_semaphore, #tpu.memory_space<semaphore_mem>>) src(%dma_wait3A_100 : memref<100000x128xf32, #tpu.memory_space<hbm>>) dst(%dma_wait3A_94 : memref<128x128xf32, #tpu.memory_space<vmem>>)
      %mul3A_101 = arith.constant 2 : i32
      %mul3A_102 = arith.muli %add3A_84, %mul3A_101 : i32
      %add3A_103 = arith.constant 1 : i32
      %add3A_104 = arith.addi %mul3A_102, %add3A_103 : i32
      %dma_wait3A_105 = arith.constant 0 : i32
      %dma_wait3A_106 = arith.constant 1 : i32
      %dma_wait3A_107 = arith.constant 0 : i32
      %dma_wait3A_108 = arith.constant 0 : i32
      %dma_wait3A_109 = tpu.memref_slice %arg6[%dma_wait3A_105, %dma_wait3A_106, %dma_wait3A_107, %dma_wait3A_108] : memref<2x2x128x128xf32, #tpu.memory_space<vmem>> -> memref<1x1x128x128xf32, #tpu.memory_space<vmem>>
      %dma_wait3A_110 = tpu.memref_squeeze %dma_wait3A_109 : memref<1x1x128x128xf32, #tpu.memory_space<vmem>> -> memref<128x128xf32, #tpu.memory_space<vmem>>
      %dma_wait3A_111 = arith.constant 0 : i32
      %dma_wait3A_112 = tpu.memref_slice %arg5[%add3A_104, %dma_wait3A_111] : memref<200x128xi32, #tpu.memory_space<vmem>> -> memref<1x128xi32, #tpu.memory_space<vmem>>
      %dma_wait3A_113 = tpu.memref_squeeze %dma_wait3A_112 : memref<1x128xi32, #tpu.memory_space<vmem>> -> memref<128xi32, #tpu.memory_space<vmem>>
      %dma_wait3A_114 = arith.constant 0 : i32
      %dma_wait3A_115 = arith.constant 0 : i32
      %dma_wait3A_116 = tpu.memref_slice %arg3[%dma_wait3A_114, %dma_wait3A_115] : memref<100000x128xf32, #tpu.memory_space<hbm>> -> memref<100000x128xf32, #tpu.memory_space<hbm>>
      tpu.wait_indirect_dma semaphore(%arg7 : memref<!tpu.dma_semaphore, #tpu.memory_space<semaphore_mem>>) src(%dma_wait3A_116 : memref<100000x128xf32, #tpu.memory_space<hbm>>) dst(%dma_wait3A_110 : memref<128x128xf32, #tpu.memory_space<vmem>>)
      %mul3A_117 = arith.constant 100 : i32
      %mul3A_118 = arith.muli %add3A, %mul3A_117 : i32
      %add3A_119 = arith.addi %mul3A_118, %add3A_84 : i32
      %dma_start3A_120 = arith.constant 0 : i32
      %dma_start3A_121 = arith.constant 0 : i32
      %dma_start3A_122 = arith.constant 0 : i32
      %dma_start3A_123 = arith.constant 0 : i32
      %dma_start3A_124 = tpu.memref_slice %arg6[%dma_start3A_120, %dma_start3A_121, %dma_start3A_122, %dma_start3A_123] : memref<2x2x128x128xf32, #tpu.memory_space<vmem>> -> memref<1x2x128x128xf32, #tpu.memory_space<vmem>>
      %dma_start3A_125 = tpu.memref_squeeze %dma_start3A_124 : memref<1x2x128x128xf32, #tpu.memory_space<vmem>> -> memref<2x128x128xf32, #tpu.memory_space<vmem>>
      %dma_start3A_126 = arith.constant 0 : i32
      %dma_start3A_127 = arith.constant 0 : i32
      %dma_start3A_128 = arith.constant 0 : i32
      %dma_start3A_129 = tpu.memref_slice %arg4[%add3A_119, %dma_start3A_126, %dma_start3A_127, %dma_start3A_128] : memref<3200x2x128x128xf32, #tpu.memory_space<hbm>> -> memref<1x2x128x128xf32, #tpu.memory_space<hbm>>
      %dma_start3A_130 = tpu.memref_squeeze %dma_start3A_129 : memref<1x2x128x128xf32, #tpu.memory_space<hbm>> -> memref<2x128x128xf32, #tpu.memory_space<hbm>>
      %dma_start3A_131 = arith.constant 0 : i32
      %dma_start3A_132 = arith.constant 0 : i32
      %dma_start3A_133 = arith.constant 0 : i32
      %dma_start3A_134 = tpu.memref_slice %arg4[%add3A_119, %dma_start3A_131, %dma_start3A_132, %dma_start3A_133] : memref<3200x2x128x128xf32, #tpu.memory_space<hbm>> -> memref<1x2x128x128xf32, #tpu.memory_space<hbm>>
      %dma_start3A_135 = tpu.memref_squeeze %dma_start3A_134 : memref<1x2x128x128xf32, #tpu.memory_space<hbm>> -> memref<2x128x128xf32, #tpu.memory_space<hbm>>
      %dma_start3A_136 = arith.constant 0 : i32
      %dma_start3A_137 = arith.constant 0 : i32
      %dma_start3A_138 = arith.constant 0 : i32
      %dma_start3A_139 = tpu.memref_slice %arg6[%dma_start3A_120, %dma_start3A_136, %dma_start3A_137, %dma_start3A_138] : memref<2x2x128x128xf32, #tpu.memory_space<vmem>> -> memref<1x2x128x128xf32, #tpu.memory_space<vmem>>
      %dma_start3A_140 = tpu.memref_squeeze %dma_start3A_139 : memref<1x2x128x128xf32, #tpu.memory_space<vmem>> -> memref<2x128x128xf32, #tpu.memory_space<vmem>>
      tpu.enqueue_dma source(%dma_start3A_140 : memref<2x128x128xf32, #tpu.memory_space<vmem>>) target(%dma_start3A_135 : memref<2x128x128xf32, #tpu.memory_space<hbm>>) target_semaphore(%arg9 : memref<!tpu.dma_semaphore, #tpu.memory_space<semaphore_mem>>)
      %add3A_141 = arith.constant 1 : i32
      %add3A_142 = arith.addi %add3A_84, %add3A_141 : i32
      %lt3A = arith.constant 100 : i32
      %lt3A_143 = arith.cmpi slt, %add3A_142, %lt3A : i32
      %convert_element_type3A = arith.extui %lt3A_143 : i1 to i32
      %cond3A = arith.constant 0 : i32
      %cond3A_144 = arith.cmpi ne, %convert_element_type3A, %cond3A : i32
      scf.if %cond3A_144 {
        %add3A_212 = arith.constant 1 : i32
        %add3A_213 = arith.addi %add3A_84, %add3A_212 : i32
        %sub3A = arith.constant 2 : i32
        %sub3A_214 = arith.subi %add3A_213, %sub3A : i32
        %ge3A = arith.constant 0 : i32
        %ge3A_215 = arith.cmpi sge, %sub3A_214, %ge3A : i32
        %convert_element_type3A_216 = arith.extui %ge3A_215 : i1 to i32
        %cond3A_217 = arith.constant 0 : i32
        %cond3A_218 = arith.cmpi ne, %convert_element_type3A_216, %cond3A_217 : i32
        scf.if %cond3A_218 {
          %add3A_255 = arith.constant 1 : i32
          %add3A_256 = arith.addi %add3A_84, %add3A_255 : i32
          %sub3A_257 = arith.constant 2 : i32
          %sub3A_258 = arith.subi %add3A_256, %sub3A_257 : i32
          %mul3A_259 = arith.constant 100 : i32
          %mul3A_260 = arith.muli %add3A, %mul3A_259 : i32
          %add3A_261 = arith.addi %mul3A_260, %sub3A_258 : i32
          %dma_wait3A_262 = arith.constant 1 : i32
          %dma_wait3A_263 = arith.constant 0 : i32
          %dma_wait3A_264 = arith.constant 0 : i32
          %dma_wait3A_265 = arith.constant 0 : i32
          %dma_wait3A_266 = tpu.memref_slice %arg6[%dma_wait3A_262, %dma_wait3A_263, %dma_wait3A_264, %dma_wait3A_265] : memref<2x2x128x128xf32, #tpu.memory_space<vmem>> -> memref<1x2x128x128xf32, #tpu.memory_space<vmem>>
          %dma_wait3A_267 = tpu.memref_squeeze %dma_wait3A_266 : memref<1x2x128x128xf32, #tpu.memory_space<vmem>> -> memref<2x128x128xf32, #tpu.memory_space<vmem>>
          %dma_wait3A_268 = arith.constant 0 : i32
          %dma_wait3A_269 = arith.constant 0 : i32
          %dma_wait3A_270 = arith.constant 0 : i32
          %dma_wait3A_271 = tpu.memref_slice %arg4[%add3A_261, %dma_wait3A_268, %dma_wait3A_269, %dma_wait3A_270] : memref<3200x2x128x128xf32, #tpu.memory_space<hbm>> -> memref<1x2x128x128xf32, #tpu.memory_space<hbm>>
          %dma_wait3A_272 = tpu.memref_squeeze %dma_wait3A_271 : memref<1x2x128x128xf32, #tpu.memory_space<hbm>> -> memref<2x128x128xf32, #tpu.memory_space<hbm>>
          %dma_wait3A_273 = arith.constant 0 : i32
          %dma_wait3A_274 = arith.constant 0 : i32
          %dma_wait3A_275 = arith.constant 0 : i32
          %dma_wait3A_276 = tpu.memref_slice %arg4[%add3A_261, %dma_wait3A_273, %dma_wait3A_274, %dma_wait3A_275] : memref<3200x2x128x128xf32, #tpu.memory_space<hbm>> -> memref<1x2x128x128xf32, #tpu.memory_space<hbm>>
          %dma_wait3A_277 = tpu.memref_squeeze %dma_wait3A_276 : memref<1x2x128x128xf32, #tpu.memory_space<hbm>> -> memref<2x128x128xf32, #tpu.memory_space<hbm>>
          %dma_wait3A_278 = arith.constant 0 : i32
          %dma_wait3A_279 = arith.constant 0 : i32
          %dma_wait3A_280 = arith.constant 0 : i32
          %dma_wait3A_281 = tpu.memref_slice %arg6[%dma_wait3A_262, %dma_wait3A_278, %dma_wait3A_279, %dma_wait3A_280] : memref<2x2x128x128xf32, #tpu.memory_space<vmem>> -> memref<1x2x128x128xf32, #tpu.memory_space<vmem>>
          %dma_wait3A_282 = tpu.memref_squeeze %dma_wait3A_281 : memref<1x2x128x128xf32, #tpu.memory_space<vmem>> -> memref<2x128x128xf32, #tpu.memory_space<vmem>>
          tpu.wait_dma2 semaphore(%arg10 : memref<!tpu.dma_semaphore, #tpu.memory_space<semaphore_mem>>) src(%dma_wait3A_282 : memref<2x128x128xf32, #tpu.memory_space<vmem>>) dst(%dma_wait3A_277 : memref<2x128x128xf32, #tpu.memory_space<hbm>>)
        } else {
        }
        %add3A_219 = arith.constant 1 : i32
        %add3A_220 = arith.addi %add3A_84, %add3A_219 : i32
        %mul3A_221 = arith.constant 2 : i32
        %mul3A_222 = arith.muli %add3A_220, %mul3A_221 : i32
        %add3A_223 = arith.constant 0 : i32
        %add3A_224 = arith.addi %mul3A_222, %add3A_223 : i32
        %dma_start3A_225 = arith.constant 1 : i32
        %dma_start3A_226 = arith.constant 0 : i32
        %dma_start3A_227 = arith.constant 0 : i32
        %dma_start3A_228 = arith.constant 0 : i32
        %dma_start3A_229 = tpu.memref_slice %arg6[%dma_start3A_225, %dma_start3A_226, %dma_start3A_227, %dma_start3A_228] : memref<2x2x128x128xf32, #tpu.memory_space<vmem>> -> memref<1x1x128x128xf32, #tpu.memory_space<vmem>>
        %dma_start3A_230 = tpu.memref_squeeze %dma_start3A_229 : memref<1x1x128x128xf32, #tpu.memory_space<vmem>> -> memref<128x128xf32, #tpu.memory_space<vmem>>
        %dma_start3A_231 = arith.constant 0 : i32
        %dma_start3A_232 = tpu.memref_slice %arg5[%add3A_224, %dma_start3A_231] : memref<200x128xi32, #tpu.memory_space<vmem>> -> memref<1x128xi32, #tpu.memory_space<vmem>>
        %dma_start3A_233 = tpu.memref_squeeze %dma_start3A_232 : memref<1x128xi32, #tpu.memory_space<vmem>> -> memref<128xi32, #tpu.memory_space<vmem>>
        %dma_start3A_234 = arith.constant 0 : i32
        %dma_start3A_235 = arith.constant 0 : i32
        %dma_start3A_236 = tpu.memref_slice %arg3[%dma_start3A_234, %dma_start3A_235] : memref<100000x128xf32, #tpu.memory_space<hbm>> -> memref<100000x128xf32, #tpu.memory_space<hbm>>
        tpu.enqueue_indirect_dma source(%dma_start3A_236 : memref<100000x128xf32, #tpu.memory_space<hbm>>) target(%dma_start3A_230 : memref<128x128xf32, #tpu.memory_space<vmem>>) offsets(%dma_start3A_233 : memref<128xi32, #tpu.memory_space<vmem>>) semaphore(%arg8 : memref<!tpu.dma_semaphore, #tpu.memory_space<semaphore_mem>>)
        %add3A_237 = arith.constant 1 : i32
        %add3A_238 = arith.addi %add3A_84, %add3A_237 : i32
        %mul3A_239 = arith.constant 2 : i32
        %mul3A_240 = arith.muli %add3A_238, %mul3A_239 : i32
        %add3A_241 = arith.constant 1 : i32
        %add3A_242 = arith.addi %mul3A_240, %add3A_241 : i32
        %dma_start3A_243 = arith.constant 1 : i32
        %dma_start3A_244 = arith.constant 1 : i32
        %dma_start3A_245 = arith.constant 0 : i32
        %dma_start3A_246 = arith.constant 0 : i32
        %dma_start3A_247 = tpu.memref_slice %arg6[%dma_start3A_243, %dma_start3A_244, %dma_start3A_245, %dma_start3A_246] : memref<2x2x128x128xf32, #tpu.memory_space<vmem>> -> memref<1x1x128x128xf32, #tpu.memory_space<vmem>>
        %dma_start3A_248 = tpu.memref_squeeze %dma_start3A_247 : memref<1x1x128x128xf32, #tpu.memory_space<vmem>> -> memref<128x128xf32, #tpu.memory_space<vmem>>
        %dma_start3A_249 = arith.constant 0 : i32
        %dma_start3A_250 = tpu.memref_slice %arg5[%add3A_242, %dma_start3A_249] : memref<200x128xi32, #tpu.memory_space<vmem>> -> memref<1x128xi32, #tpu.memory_space<vmem>>
        %dma_start3A_251 = tpu.memref_squeeze %dma_start3A_250 : memref<1x128xi32, #tpu.memory_space<vmem>> -> memref<128xi32, #tpu.memory_space<vmem>>
        %dma_start3A_252 = arith.constant 0 : i32
        %dma_start3A_253 = arith.constant 0 : i32
        %dma_start3A_254 = tpu.memref_slice %arg3[%dma_start3A_252, %dma_start3A_253] : memref<100000x128xf32, #tpu.memory_space<hbm>> -> memref<100000x128xf32, #tpu.memory_space<hbm>>
        tpu.enqueue_indirect_dma source(%dma_start3A_254 : memref<100000x128xf32, #tpu.memory_space<hbm>>) target(%dma_start3A_248 : memref<128x128xf32, #tpu.memory_space<vmem>>) offsets(%dma_start3A_251 : memref<128xi32, #tpu.memory_space<vmem>>) semaphore(%arg8 : memref<!tpu.dma_semaphore, #tpu.memory_space<semaphore_mem>>)
      } else {
      }
      %mul3A_145 = arith.constant 2 : i32
      %mul3A_146 = arith.muli %scan3A_80, %mul3A_145 : i32
      %add3A_147 = arith.constant 1 : i32
      %add3A_148 = arith.addi %mul3A_146, %add3A_147 : i32
      %mul3A_149 = arith.constant 2 : i32
      %mul3A_150 = arith.muli %add3A_148, %mul3A_149 : i32
      %add3A_151 = arith.constant 0 : i32
      %add3A_152 = arith.addi %mul3A_150, %add3A_151 : i32
      %dma_wait3A_153 = arith.constant 1 : i32
      %dma_wait3A_154 = arith.constant 0 : i32
      %dma_wait3A_155 = arith.constant 0 : i32
      %dma_wait3A_156 = arith.constant 0 : i32
      %dma_wait3A_157 = tpu.memref_slice %arg6[%dma_wait3A_153, %dma_wait3A_154, %dma_wait3A_155, %dma_wait3A_156] : memref<2x2x128x128xf32, #tpu.memory_space<vmem>> -> memref<1x1x128x128xf32, #tpu.memory_space<vmem>>
      %dma_wait3A_158 = tpu.memref_squeeze %dma_wait3A_157 : memref<1x1x128x128xf32, #tpu.memory_space<vmem>> -> memref<128x128xf32, #tpu.memory_space<vmem>>
      %dma_wait3A_159 = arith.constant 0 : i32
      %dma_wait3A_160 = tpu.memref_slice %arg5[%add3A_152, %dma_wait3A_159] : memref<200x128xi32, #tpu.memory_space<vmem>> -> memref<1x128xi32, #tpu.memory_space<vmem>>
      %dma_wait3A_161 = tpu.memref_squeeze %dma_wait3A_160 : memref<1x128xi32, #tpu.memory_space<vmem>> -> memref<128xi32, #tpu.memory_space<vmem>>
      %dma_wait3A_162 = arith.constant 0 : i32
      %dma_wait3A_163 = arith.constant 0 : i32
      %dma_wait3A_164 = tpu.memref_slice %arg3[%dma_wait3A_162, %dma_wait3A_163] : memref<100000x128xf32, #tpu.memory_space<hbm>> -> memref<100000x128xf32, #tpu.memory_space<hbm>>
      tpu.wait_indirect_dma semaphore(%arg8 : memref<!tpu.dma_semaphore, #tpu.memory_space<semaphore_mem>>) src(%dma_wait3A_164 : memref<100000x128xf32, #tpu.memory_space<hbm>>) dst(%dma_wait3A_158 : memref<128x128xf32, #tpu.memory_space<vmem>>)
      %mul3A_165 = arith.constant 2 : i32
      %mul3A_166 = arith.muli %add3A_148, %mul3A_165 : i32
      %add3A_167 = arith.constant 1 : i32
      %add3A_168 = arith.addi %mul3A_166, %add3A_167 : i32
      %dma_wait3A_169 = arith.constant 1 : i32
      %dma_wait3A_170 = arith.constant 1 : i32
      %dma_wait3A_171 = arith.constant 0 : i32
      %dma_wait3A_172 = arith.constant 0 : i32
      %dma_wait3A_173 = tpu.memref_slice %arg6[%dma_wait3A_169, %dma_wait3A_170, %dma_wait3A_171, %dma_wait3A_172] : memref<2x2x128x128xf32, #tpu.memory_space<vmem>> -> memref<1x1x128x128xf32, #tpu.memory_space<vmem>>
      %dma_wait3A_174 = tpu.memref_squeeze %dma_wait3A_173 : memref<1x1x128x128xf32, #tpu.memory_space<vmem>> -> memref<128x128xf32, #tpu.memory_space<vmem>>
      %dma_wait3A_175 = arith.constant 0 : i32
      %dma_wait3A_176 = tpu.memref_slice %arg5[%add3A_168, %dma_wait3A_175] : memref<200x128xi32, #tpu.memory_space<vmem>> -> memref<1x128xi32, #tpu.memory_space<vmem>>
      %dma_wait3A_177 = tpu.memref_squeeze %dma_wait3A_176 : memref<1x128xi32, #tpu.memory_space<vmem>> -> memref<128xi32, #tpu.memory_space<vmem>>
      %dma_wait3A_178 = arith.constant 0 : i32
      %dma_wait3A_179 = arith.constant 0 : i32
      %dma_wait3A_180 = tpu.memref_slice %arg3[%dma_wait3A_178, %dma_wait3A_179] : memref<100000x128xf32, #tpu.memory_space<hbm>> -> memref<100000x128xf32, #tpu.memory_space<hbm>>
      tpu.wait_indirect_dma semaphore(%arg8 : memref<!tpu.dma_semaphore, #tpu.memory_space<semaphore_mem>>) src(%dma_wait3A_180 : memref<100000x128xf32, #tpu.memory_space<hbm>>) dst(%dma_wait3A_174 : memref<128x128xf32, #tpu.memory_space<vmem>>)
      %mul3A_181 = arith.constant 100 : i32
      %mul3A_182 = arith.muli %add3A, %mul3A_181 : i32
      %add3A_183 = arith.addi %mul3A_182, %add3A_148 : i32
      %dma_start3A_184 = arith.constant 1 : i32
      %dma_start3A_185 = arith.constant 0 : i32
      %dma_start3A_186 = arith.constant 0 : i32
      %dma_start3A_187 = arith.constant 0 : i32
      %dma_start3A_188 = tpu.memref_slice %arg6[%dma_start3A_184, %dma_start3A_185, %dma_start3A_186, %dma_start3A_187] : memref<2x2x128x128xf32, #tpu.memory_space<vmem>> -> memref<1x2x128x128xf32, #tpu.memory_space<vmem>>
      %dma_start3A_189 = tpu.memref_squeeze %dma_start3A_188 : memref<1x2x128x128xf32, #tpu.memory_space<vmem>> -> memref<2x128x128xf32, #tpu.memory_space<vmem>>
      %dma_start3A_190 = arith.constant 0 : i32
      %dma_start3A_191 = arith.constant 0 : i32
      %dma_start3A_192 = arith.constant 0 : i32
      %dma_start3A_193 = tpu.memref_slice %arg4[%add3A_183, %dma_start3A_190, %dma_start3A_191, %dma_start3A_192] : memref<3200x2x128x128xf32, #tpu.memory_space<hbm>> -> memref<1x2x128x128xf32, #tpu.memory_space<hbm>>
      %dma_start3A_194 = tpu.memref_squeeze %dma_start3A_193 : memref<1x2x128x128xf32, #tpu.memory_space<hbm>> -> memref<2x128x128xf32, #tpu.memory_space<hbm>>
      %dma_start3A_195 = arith.constant 0 : i32
      %dma_start3A_196 = arith.constant 0 : i32
      %dma_start3A_197 = arith.constant 0 : i32
      %dma_start3A_198 = tpu.memref_slice %arg4[%add3A_183, %dma_start3A_195, %dma_start3A_196, %dma_start3A_197] : memref<3200x2x128x128xf32, #tpu.memory_space<hbm>> -> memref<1x2x128x128xf32, #tpu.memory_space<hbm>>
      %dma_start3A_199 = tpu.memref_squeeze %dma_start3A_198 : memref<1x2x128x128xf32, #tpu.memory_space<hbm>> -> memref<2x128x128xf32, #tpu.memory_space<hbm>>
      %dma_start3A_200 = arith.constant 0 : i32
      %dma_start3A_201 = arith.constant 0 : i32
      %dma_start3A_202 = arith.constant 0 : i32
      %dma_start3A_203 = tpu.memref_slice %arg6[%dma_start3A_184, %dma_start3A_200, %dma_start3A_201, %dma_start3A_202] : memref<2x2x128x128xf32, #tpu.memory_space<vmem>> -> memref<1x2x128x128xf32, #tpu.memory_space<vmem>>
      %dma_start3A_204 = tpu.memref_squeeze %dma_start3A_203 : memref<1x2x128x128xf32, #tpu.memory_space<vmem>> -> memref<2x128x128xf32, #tpu.memory_space<vmem>>
      tpu.enqueue_dma source(%dma_start3A_204 : memref<2x128x128xf32, #tpu.memory_space<vmem>>) target(%dma_start3A_199 : memref<2x128x128xf32, #tpu.memory_space<hbm>>) target_semaphore(%arg10 : memref<!tpu.dma_semaphore, #tpu.memory_space<semaphore_mem>>)
      %add3A_205 = arith.constant 1 : i32
      %add3A_206 = arith.addi %add3A_148, %add3A_205 : i32
      %lt3A_207 = arith.constant 100 : i32
      %lt3A_208 = arith.cmpi slt, %add3A_206, %lt3A_207 : i32
      %convert_element_type3A_209 = arith.extui %lt3A_208 : i1 to i32
      %cond3A_210 = arith.constant 0 : i32
      %cond3A_211 = arith.cmpi ne, %convert_element_type3A_209, %cond3A_210 : i32
      scf.if %cond3A_211 {
        %add3A_212 = arith.constant 1 : i32
        %add3A_213 = arith.addi %add3A_148, %add3A_212 : i32
        %sub3A = arith.constant 2 : i32
        %sub3A_214 = arith.subi %add3A_213, %sub3A : i32
        %ge3A = arith.constant 0 : i32
        %ge3A_215 = arith.cmpi sge, %sub3A_214, %ge3A : i32
        %convert_element_type3A_216 = arith.extui %ge3A_215 : i1 to i32
        %cond3A_217 = arith.constant 0 : i32
        %cond3A_218 = arith.cmpi ne, %convert_element_type3A_216, %cond3A_217 : i32
        scf.if %cond3A_218 {
          %add3A_255 = arith.constant 1 : i32
          %add3A_256 = arith.addi %add3A_148, %add3A_255 : i32
          %sub3A_257 = arith.constant 2 : i32
          %sub3A_258 = arith.subi %add3A_256, %sub3A_257 : i32
          %mul3A_259 = arith.constant 100 : i32
          %mul3A_260 = arith.muli %add3A, %mul3A_259 : i32
          %add3A_261 = arith.addi %mul3A_260, %sub3A_258 : i32
          %dma_wait3A_262 = arith.constant 0 : i32
          %dma_wait3A_263 = arith.constant 0 : i32
          %dma_wait3A_264 = arith.constant 0 : i32
          %dma_wait3A_265 = arith.constant 0 : i32
          %dma_wait3A_266 = tpu.memref_slice %arg6[%dma_wait3A_262, %dma_wait3A_263, %dma_wait3A_264, %dma_wait3A_265] : memref<2x2x128x128xf32, #tpu.memory_space<vmem>> -> memref<1x2x128x128xf32, #tpu.memory_space<vmem>>
          %dma_wait3A_267 = tpu.memref_squeeze %dma_wait3A_266 : memref<1x2x128x128xf32, #tpu.memory_space<vmem>> -> memref<2x128x128xf32, #tpu.memory_space<vmem>>
          %dma_wait3A_268 = arith.constant 0 : i32
          %dma_wait3A_269 = arith.constant 0 : i32
          %dma_wait3A_270 = arith.constant 0 : i32
          %dma_wait3A_271 = tpu.memref_slice %arg4[%add3A_261, %dma_wait3A_268, %dma_wait3A_269, %dma_wait3A_270] : memref<3200x2x128x128xf32, #tpu.memory_space<hbm>> -> memref<1x2x128x128xf32, #tpu.memory_space<hbm>>
          %dma_wait3A_272 = tpu.memref_squeeze %dma_wait3A_271 : memref<1x2x128x128xf32, #tpu.memory_space<hbm>> -> memref<2x128x128xf32, #tpu.memory_space<hbm>>
          %dma_wait3A_273 = arith.constant 0 : i32
          %dma_wait3A_274 = arith.constant 0 : i32
          %dma_wait3A_275 = arith.constant 0 : i32
          %dma_wait3A_276 = tpu.memref_slice %arg4[%add3A_261, %dma_wait3A_273, %dma_wait3A_274, %dma_wait3A_275] : memref<3200x2x128x128xf32, #tpu.memory_space<hbm>> -> memref<1x2x128x128xf32, #tpu.memory_space<hbm>>
          %dma_wait3A_277 = tpu.memref_squeeze %dma_wait3A_276 : memref<1x2x128x128xf32, #tpu.memory_space<hbm>> -> memref<2x128x128xf32, #tpu.memory_space<hbm>>
          %dma_wait3A_278 = arith.constant 0 : i32
          %dma_wait3A_279 = arith.constant 0 : i32
          %dma_wait3A_280 = arith.constant 0 : i32
          %dma_wait3A_281 = tpu.memref_slice %arg6[%dma_wait3A_262, %dma_wait3A_278, %dma_wait3A_279, %dma_wait3A_280] : memref<2x2x128x128xf32, #tpu.memory_space<vmem>> -> memref<1x2x128x128xf32, #tpu.memory_space<vmem>>
          %dma_wait3A_282 = tpu.memref_squeeze %dma_wait3A_281 : memref<1x2x128x128xf32, #tpu.memory_space<vmem>> -> memref<2x128x128xf32, #tpu.memory_space<vmem>>
          tpu.wait_dma2 semaphore(%arg9 : memref<!tpu.dma_semaphore, #tpu.memory_space<semaphore_mem>>) src(%dma_wait3A_282 : memref<2x128x128xf32, #tpu.memory_space<vmem>>) dst(%dma_wait3A_277 : memref<2x128x128xf32, #tpu.memory_space<hbm>>)
        } else {
        }
        %add3A_219 = arith.constant 1 : i32
        %add3A_220 = arith.addi %add3A_148, %add3A_219 : i32
        %mul3A_221 = arith.constant 2 : i32
        %mul3A_222 = arith.muli %add3A_220, %mul3A_221 : i32
        %add3A_223 = arith.constant 0 : i32
        %add3A_224 = arith.addi %mul3A_222, %add3A_223 : i32
        %dma_start3A_225 = arith.constant 0 : i32
        %dma_start3A_226 = arith.constant 0 : i32
        %dma_start3A_227 = arith.constant 0 : i32
        %dma_start3A_228 = arith.constant 0 : i32
        %dma_start3A_229 = tpu.memref_slice %arg6[%dma_start3A_225, %dma_start3A_226, %dma_start3A_227, %dma_start3A_228] : memref<2x2x128x128xf32, #tpu.memory_space<vmem>> -> memref<1x1x128x128xf32, #tpu.memory_space<vmem>>
        %dma_start3A_230 = tpu.memref_squeeze %dma_start3A_229 : memref<1x1x128x128xf32, #tpu.memory_space<vmem>> -> memref<128x128xf32, #tpu.memory_space<vmem>>
        %dma_start3A_231 = arith.constant 0 : i32
        %dma_start3A_232 = tpu.memref_slice %arg5[%add3A_224, %dma_start3A_231] : memref<200x128xi32, #tpu.memory_space<vmem>> -> memref<1x128xi32, #tpu.memory_space<vmem>>
        %dma_start3A_233 = tpu.memref_squeeze %dma_start3A_232 : memref<1x128xi32, #tpu.memory_space<vmem>> -> memref<128xi32, #tpu.memory_space<vmem>>
        %dma_start3A_234 = arith.constant 0 : i32
        %dma_start3A_235 = arith.constant 0 : i32
        %dma_start3A_236 = tpu.memref_slice %arg3[%dma_start3A_234, %dma_start3A_235] : memref<100000x128xf32, #tpu.memory_space<hbm>> -> memref<100000x128xf32, #tpu.memory_space<hbm>>
        tpu.enqueue_indirect_dma source(%dma_start3A_236 : memref<100000x128xf32, #tpu.memory_space<hbm>>) target(%dma_start3A_230 : memref<128x128xf32, #tpu.memory_space<vmem>>) offsets(%dma_start3A_233 : memref<128xi32, #tpu.memory_space<vmem>>) semaphore(%arg7 : memref<!tpu.dma_semaphore, #tpu.memory_space<semaphore_mem>>)
        %add3A_237 = arith.constant 1 : i32
        %add3A_238 = arith.addi %add3A_148, %add3A_237 : i32
        %mul3A_239 = arith.constant 2 : i32
        %mul3A_240 = arith.muli %add3A_238, %mul3A_239 : i32
        %add3A_241 = arith.constant 1 : i32
        %add3A_242 = arith.addi %mul3A_240, %add3A_241 : i32
        %dma_start3A_243 = arith.constant 0 : i32
        %dma_start3A_244 = arith.constant 1 : i32
        %dma_start3A_245 = arith.constant 0 : i32
        %dma_start3A_246 = arith.constant 0 : i32
        %dma_start3A_247 = tpu.memref_slice %arg6[%dma_start3A_243, %dma_start3A_244, %dma_start3A_245, %dma_start3A_246] : memref<2x2x128x128xf32, #tpu.memory_space<vmem>> -> memref<1x1x128x128xf32, #tpu.memory_space<vmem>>
        %dma_start3A_248 = tpu.memref_squeeze %dma_start3A_247 : memref<1x1x128x128xf32, #tpu.memory_space<vmem>> -> memref<128x128xf32, #tpu.memory_space<vmem>>
        %dma_start3A_249 = arith.constant 0 : i32
        %dma_start3A_250 = tpu.memref_slice %arg5[%add3A_242, %dma_start3A_249] : memref<200x128xi32, #tpu.memory_space<vmem>> -> memref<1x128xi32, #tpu.memory_space<vmem>>
        %dma_start3A_251 = tpu.memref_squeeze %dma_start3A_250 : memref<1x128xi32, #tpu.memory_space<vmem>> -> memref<128xi32, #tpu.memory_space<vmem>>
        %dma_start3A_252 = arith.constant 0 : i32
        %dma_start3A_253 = arith.constant 0 : i32
        %dma_start3A_254 = tpu.memref_slice %arg3[%dma_start3A_252, %dma_start3A_253] : memref<100000x128xf32, #tpu.memory_space<hbm>> -> memref<100000x128xf32, #tpu.memory_space<hbm>>
        tpu.enqueue_indirect_dma source(%dma_start3A_254 : memref<100000x128xf32, #tpu.memory_space<hbm>>) target(%dma_start3A_248 : memref<128x128xf32, #tpu.memory_space<vmem>>) offsets(%dma_start3A_251 : memref<128xi32, #tpu.memory_space<vmem>>) semaphore(%arg7 : memref<!tpu.dma_semaphore, #tpu.memory_space<semaphore_mem>>)
      } else {
      }
    }
    %scan3A_30 = arith.constant 50 : i32
    %mul3A_31 = arith.constant 100 : i32
    %mul3A_32 = arith.muli %add3A, %mul3A_31 : i32
    %add3A_33 = arith.constant 98 : i32
    %add3A_34 = arith.addi %mul3A_32, %add3A_33 : i32
    %dma_wait3A = arith.constant 0 : i32
    %dma_wait3A_35 = arith.constant 0 : i32
    %dma_wait3A_36 = arith.constant 0 : i32
    %dma_wait3A_37 = arith.constant 0 : i32
    %dma_wait3A_38 = tpu.memref_slice %arg6[%dma_wait3A, %dma_wait3A_35, %dma_wait3A_36, %dma_wait3A_37] : memref<2x2x128x128xf32, #tpu.memory_space<vmem>> -> memref<1x2x128x128xf32, #tpu.memory_space<vmem>>
    %dma_wait3A_39 = tpu.memref_squeeze %dma_wait3A_38 : memref<1x2x128x128xf32, #tpu.memory_space<vmem>> -> memref<2x128x128xf32, #tpu.memory_space<vmem>>
    %dma_wait3A_40 = arith.constant 0 : i32
    %dma_wait3A_41 = arith.constant 0 : i32
    %dma_wait3A_42 = arith.constant 0 : i32
    %dma_wait3A_43 = tpu.memref_slice %arg4[%add3A_34, %dma_wait3A_40, %dma_wait3A_41, %dma_wait3A_42] : memref<3200x2x128x128xf32, #tpu.memory_space<hbm>> -> memref<1x2x128x128xf32, #tpu.memory_space<hbm>>
    %dma_wait3A_44 = tpu.memref_squeeze %dma_wait3A_43 : memref<1x2x128x128xf32, #tpu.memory_space<hbm>> -> memref<2x128x128xf32, #tpu.memory_space<hbm>>
    %dma_wait3A_45 = arith.constant 0 : i32
    %dma_wait3A_46 = arith.constant 0 : i32
    %dma_wait3A_47 = arith.constant 0 : i32
    %dma_wait3A_48 = tpu.memref_slice %arg4[%add3A_34, %dma_wait3A_45, %dma_wait3A_46, %dma_wait3A_47] : memref<3200x2x128x128xf32, #tpu.memory_space<hbm>> -> memref<1x2x128x128xf32, #tpu.memory_space<hbm>>
    %dma_wait3A_49 = tpu.memref_squeeze %dma_wait3A_48 : memref<1x2x128x128xf32, #tpu.memory_space<hbm>> -> memref<2x128x128xf32, #tpu.memory_space<hbm>>
    %dma_wait3A_50 = arith.constant 0 : i32
    %dma_wait3A_51 = arith.constant 0 : i32
    %dma_wait3A_52 = arith.constant 0 : i32
    %dma_wait3A_53 = tpu.memref_slice %arg6[%dma_wait3A, %dma_wait3A_50, %dma_wait3A_51, %dma_wait3A_52] : memref<2x2x128x128xf32, #tpu.memory_space<vmem>> -> memref<1x2x128x128xf32, #tpu.memory_space<vmem>>
    %dma_wait3A_54 = tpu.memref_squeeze %dma_wait3A_53 : memref<1x2x128x128xf32, #tpu.memory_space<vmem>> -> memref<2x128x128xf32, #tpu.memory_space<vmem>>
    tpu.wait_dma2 semaphore(%arg9 : memref<!tpu.dma_semaphore, #tpu.memory_space<semaphore_mem>>) src(%dma_wait3A_54 : memref<2x128x128xf32, #tpu.memory_space<vmem>>) dst(%dma_wait3A_49 : memref<2x128x128xf32, #tpu.memory_space<hbm>>)
    %mul3A_55 = arith.constant 100 : i32
    %mul3A_56 = arith.muli %add3A, %mul3A_55 : i32
    %add3A_57 = arith.constant 99 : i32
    %add3A_58 = arith.addi %mul3A_56, %add3A_57 : i32
    %dma_wait3A_59 = arith.constant 1 : i32
    %dma_wait3A_60 = arith.constant 0 : i32
    %dma_wait3A_61 = arith.constant 0 : i32
    %dma_wait3A_62 = arith.constant 0 : i32
    %dma_wait3A_63 = tpu.memref_slice %arg6[%dma_wait3A_59, %dma_wait3A_60, %dma_wait3A_61, %dma_wait3A_62] : memref<2x2x128x128xf32, #tpu.memory_space<vmem>> -> memref<1x2x128x128xf32, #tpu.memory_space<vmem>>
    %dma_wait3A_64 = tpu.memref_squeeze %dma_wait3A_63 : memref<1x2x128x128xf32, #tpu.memory_space<vmem>> -> memref<2x128x128xf32, #tpu.memory_space<vmem>>
    %dma_wait3A_65 = arith.constant 0 : i32
    %dma_wait3A_66 = arith.constant 0 : i32
    %dma_wait3A_67 = arith.constant 0 : i32
    %dma_wait3A_68 = tpu.memref_slice %arg4[%add3A_58, %dma_wait3A_65, %dma_wait3A_66, %dma_wait3A_67] : memref<3200x2x128x128xf32, #tpu.memory_space<hbm>> -> memref<1x2x128x128xf32, #tpu.memory_space<hbm>>
    %dma_wait3A_69 = tpu.memref_squeeze %dma_wait3A_68 : memref<1x2x128x128xf32, #tpu.memory_space<hbm>> -> memref<2x128x128xf32, #tpu.memory_space<hbm>>
    %dma_wait3A_70 = arith.constant 0 : i32
    %dma_wait3A_71 = arith.constant 0 : i32
    %dma_wait3A_72 = arith.constant 0 : i32
    %dma_wait3A_73 = tpu.memref_slice %arg4[%add3A_58, %dma_wait3A_70, %dma_wait3A_71, %dma_wait3A_72] : memref<3200x2x128x128xf32, #tpu.memory_space<hbm>> -> memref<1x2x128x128xf32, #tpu.memory_space<hbm>>
    %dma_wait3A_74 = tpu.memref_squeeze %dma_wait3A_73 : memref<1x2x128x128xf32, #tpu.memory_space<hbm>> -> memref<2x128x128xf32, #tpu.memory_space<hbm>>
    %dma_wait3A_75 = arith.constant 0 : i32
    %dma_wait3A_76 = arith.constant 0 : i32
    %dma_wait3A_77 = arith.constant 0 : i32
    %dma_wait3A_78 = tpu.memref_slice %arg6[%dma_wait3A_59, %dma_wait3A_75, %dma_wait3A_76, %dma_wait3A_77] : memref<2x2x128x128xf32, #tpu.memory_space<vmem>> -> memref<1x2x128x128xf32, #tpu.memory_space<vmem>>
    %dma_wait3A_79 = tpu.memref_squeeze %dma_wait3A_78 : memref<1x2x128x128xf32, #tpu.memory_space<vmem>> -> memref<2x128x128xf32, #tpu.memory_space<vmem>>
    tpu.wait_dma2 semaphore(%arg10 : memref<!tpu.dma_semaphore, #tpu.memory_space<semaphore_mem>>) src(%dma_wait3A_79 : memref<2x128x128xf32, #tpu.memory_space<vmem>>) dst(%dma_wait3A_74 : memref<2x128x128xf32, #tpu.memory_space<hbm>>)
    return
  }
}

</mosaic_0001>

<sc_bundles>
// kernel: kernel.3.cloned.1.call-start
scs
__scs_entry_jumppad:
0x0: {  	(pc) =	sbr.rel $0x88, $3  }
0x1: {  	(tag) =	ssettag $0x0;
	lr =	simm.s32 $0x1  }
0x2: {  	[smem:$0x3F9F] =	sst lr;
	_ =	strace $0xD0000000  }
0x3: {  	_ = 	snop  }
0x4: {  	_ = 	snop  }
0x5: {  	_ = 	snop  }
0x6: {  	_ = 	snop  }
0x7: {  	_ = 	snop  }
__scs_overlays_trampoline_lowered:
0x8: {  	[smem:$0x3FAE] =	sst s0  }
0x9: {  	[smem:$0x3FAF] =	sst s1  }
0xa: {  	[smem:$0x3FB0] =	sst s2  }
0xb: {  	[smem:$0x3FB1] =	sst s3  }
0xc: {  	[smem:$0x3FB2] =	sst s4  }
0xd: {  	[smem:$0x3FB3] =	sst s5  }
0xe: {  	[smem:$0x3FB4] =	sst s6  }
0xf: {  	[smem:$0x3FB5] =	sst s7  }
0x10: {  	[smem:$0x3FB6] =	sst s8  }
0x11: {  	[smem:$0x3FB7] =	sst s9;
	s0 =	simm.s32 @!p0 $0x0  }
0x12: {  	s1 =	sld [smem:$0x3F9D];
	s0 =	simm.s32 @p0 $0x1  }
0x13: {  	[smem:$0x3FB8] =	sst s0;
	s0 =	simm.s32 @!p1 $0x0  }
0x14: {  	s2 =	sld [smem:$0x3F9C];
	s0 =	simm.s32 @p1 $0x1  }
0x15: {  	[smem:$0x3FB9] =	sst s0;
	s0 =	simm.s32 @!p2 $0x0  }
0x16: {  	s3 =	sld [smem:$0x3FDB];
	s0 =	simm.s32 @p2 $0x1  }
0x17: {  	s4 =	simm.s32 $0x1BF5;
	[smem:$0x3FBB] =	sst s0  }
0x18: {  	s0 =	sld [smem:$0x3F9E];
	_ =	swait.ge [sflag:s4], $0x0  }
0x19: {  	s7 =	sld [smem:$0x3F9F]  }
0x1a: {  	s8 =	sadd.s32 $0xFFFFE003, lr  }
0x1b: {  	s9 =	sadd.s32 $0xFFFFFEF7, lr;
	s5 =	simm.s32 $0xFFFFFFFF;
	p2 =	slt.u32 s8, $0xFFFFF086  }
0x1c: {  	p1 =	slt.u32 s9, $0xF7A;
	s5 =	simm.s32 @!p2 $0x0  }
0x1d: {  	s5 =	simm.s32 @p1 $0x1;
	p0 =	seq.s32 s7, s2  }
0x1e: {  	s7 =	smul.u32 @!p0 $0xF7A, s2;
	p2 =	seq.s32 @!p0 s5, $0x0  }
0x1f: {  	s9 =	smul.u32 $0xF7A, s1;
	s8 =	simm.s32 @!p0 $0x1BF5;
	p2 =	por !p2, p0  }
0x20: {  	[sflag:s8] =	ssyncset.s32 @!p0 $0xFFFFF086;
	s6 =	sadd.s32 @!p0 s3, s7;
	s7 =	simm.s32 @!p0 $0x108  }
0x21: {  	s3 =	sadd.s32 s3, s9;
	s6 =	sadd.s32 @!p0 $0x88, s6;
	s7 =	simm.s32 @p2 $0x1082  }
0x22: {  	[simem:s7], [sflag:s8] =	dma.local @!p0 [hbm:s6], $0xF7A  }
0x23: {  	s9 =	sor.u32 $0xD0000000, s2;
	s6 =	simm.s32 $0x108;
	_ =	swait.ge @!p0 [sflag:s8], $0x0  }
0x24: {  	s3 =	sadd.s32 $0x88, s3;
	s6 =	simm.s32 @!p1 $0x1082;
	[sflag:s4] =	ssyncset.s32 $0xFFFFF086  }
0x25: {  	[simem:s6], [sflag:s4] =	dma.local [hbm:s3], $0xF7A  }
0x26: {  	[smem:$0x3F9F] =	sst s1;
	(tag) =	ssettag s2;
	_ =	strace s9  }
0x27: {  	s1 =	sld [smem:$0x3FAF]  }
0x28: {  	s2 =	sld [smem:$0x3FB0]  }
0x29: {  	s4 =	sld [smem:$0x3FB2]  }
0x2a: {  	p0 =	seq.s32 s5, $0x0;
	s5 =	sld [smem:$0x3FB3]  }
0x2b: {  	s6 =	sld [smem:$0x3FB4]  }
0x2c: {  	s7 =	sld [smem:$0x3FB5]  }
0x2d: {  	s3 =	simm.s32 $0x108;
	s8 =	sld [smem:$0x3FB6]  }
0x2e: {  	s3 =	simm.s32 @!p0 $0x1082;
	s9 =	sld [smem:$0x3FB7]  }
0x2f: {  	lr =	sadd.s32 s0, s3;
	s0 =	sld [smem:$0x3FAE]  }
0x30: {  	s3 =	sld [smem:$0x3FB1]  }
0x31: {  	[smem:$0x3FBA] =	sst s10  }
0x32: {  	s10 =	sld [smem:$0x3FB8];
	_ =	sdelay $0x3  }
0x33: {  	p0 =	seq.s32 s10, $0x1;
	s10 =	sld [smem:$0x3FBA];
	_ =	sdelay $0x3  }
0x34: {  	[smem:$0x3FBA] =	sst s10  }
0x35: {  	s10 =	sld [smem:$0x3FB9];
	_ =	sdelay $0x3  }
0x36: {  	p1 =	seq.s32 s10, $0x1;
	s10 =	sld [smem:$0x3FBA];
	_ =	sdelay $0x3  }
0x37: {  	[smem:$0x3FBA] =	sst s10  }
0x38: {  	s10 =	sld [smem:$0x3FBB]  }
0x39: {  	_ = 	snop;
	(pc) =	sbr.ind lr, $3  }
0x3a: {  	_ = 	snop  }
0x3b: {  	_ = 	snop  }
0x3c: {  	p2 =	seq.s32 s10, $0x1;
	s10 =	sld [smem:$0x3FBA]  }
0x3d: {  	_ =	shalt  }
0x3e: {  	_ =	shalt  }
0x3f: {  	_ =	shalt  }
0x40: {  	_ =	shalt  }
0x41: {  	_ =	shalt  }
0x42: {  	_ =	shalt  }
0x43: {  	_ =	shalt  }
0x44: {  	_ =	shalt  }
0x45: {  	_ =	shalt  }
0x46: {  	_ =	shalt  }
0x47: {  	_ =	shalt  }
0x48: {  	_ =	shalt  }
0x49: {  	_ =	shalt  }
0x4a: {  	_ =	shalt  }
0x4b: {  	_ =	shalt  }
0x4c: {  	_ =	shalt  }
0x4d: {  	_ =	shalt  }
0x4e: {  	_ =	shalt  }
0x4f: {  	_ =	shalt  }
0x50: {  	_ =	shalt  }
0x51: {  	_ =	shalt  }
0x52: {  	_ =	shalt  }
0x53: {  	_ =	shalt  }
0x54: {  	_ =	shalt  }
0x55: {  	_ =	shalt  }
0x56: {  	_ =	shalt  }
0x57: {  	_ =	shalt  }
0x58: {  	_ =	shalt  }
0x59: {  	_ =	shalt  }
0x5a: {  	_ =	shalt  }
0x5b: {  	_ =	shalt  }
0x5c: {  	_ =	shalt  }
0x5d: {  	_ =	shalt  }
0x5e: {  	_ =	shalt  }
0x5f: {  	_ =	shalt  }
0x60: {  	_ =	shalt  }
0x61: {  	_ =	shalt  }
0x62: {  	_ =	shalt  }
0x63: {  	_ =	shalt  }
0x64: {  	_ =	shalt  }
0x65: {  	_ =	shalt  }
0x66: {  	_ =	shalt  }
0x67: {  	_ =	shalt  }
0x68: {  	_ =	shalt  }
0x69: {  	_ =	shalt  }
0x6a: {  	_ =	shalt  }
0x6b: {  	_ =	shalt  }
0x6c: {  	_ =	shalt  }
0x6d: {  	_ =	shalt  }
0x6e: {  	_ =	shalt  }
0x6f: {  	_ =	shalt  }
0x70: {  	_ =	shalt  }
0x71: {  	_ =	shalt  }
0x72: {  	_ =	shalt  }
0x73: {  	_ =	shalt  }
0x74: {  	_ =	shalt  }
0x75: {  	_ =	shalt  }
0x76: {  	_ =	shalt  }
0x77: {  	_ =	shalt  }
0x78: {  	_ =	shalt  }
0x79: {  	_ =	shalt  }
0x7a: {  	_ =	shalt  }
0x7b: {  	_ =	shalt  }
0x7c: {  	_ =	shalt  }
0x7d: {  	_ =	shalt  }
0x7e: {  	_ =	shalt  }
0x7f: {  	_ =	shalt  }
0x80: {  	_ =	shalt  }
0x81: {  	_ =	shalt  }
0x82: {  	_ =	shalt  }
0x83: {  	_ =	shalt  }
0x84: {  	_ =	shalt  }
0x85: {  	_ =	shalt  }
0x86: {  	_ =	shalt  }
0x87: {  	_ =	shalt  }
.Lfunc_end0:
.L_simem_size_0:
called_computation_lowered:
.L_overlay_start_0:
0x88: {  	s2 =	sld [smem:$0x3FD9]  }
0x89: {  	s3 =	sld [smem:$0x3FFE];
	_ =	sdelay $0x1  }
0x8a: {  	s1 =	srdreg.scid  }
0x8b: {  	s0 =	sand.u32 $0x1, s1  }
0x8c: {  	s17 =	sshll.u32 s0, $0xA;
	s2 =	sadd.s32 s3, s2  }
0x8d: {  	s2 =	sadd.s32 s2, s17  }
0x8e: {  	[smem:$0x3FC6] =	sst s2  }
0x8f: {  	_ = 	snop  }
0x90: {  	s2 =	sld [smem:$0x3FC8]  }
0x91: {  	s18 =	sld [smem:$0x3FD0];
	(tm) =	ssettm $0x1  }
0x92: {  	s4 =	sld [smem:$0x3FFB];
	_ =	sdelay $0x3  }
0x93: {  	_ =	strace s4  }
0x94: {  	s4 =	sld [smem:$0x3FFC];
	_ =	sdelay $0x3  }
0x95: {  	_ =	strace s4  }
0x96: {  	s4 =	sld [smem:$0x3FFD];
	_ =	sdelay $0x3  }
0x97: {  	_ =	strace s4  }
0x98: {  	_ =	strace $0x8FFFFFFF  }
0x99: {  	s19 =	sld [smem:$0x3FDB];
	_ =	sdelay $0x1  }
0x9a: {  	s5 =	simm.s32 $_scs_section_size  }
0x9b: {  	s6 =	simm.s32 $_size__tile_overlayer_lowered;
	s7 =	simm.s32 $_tile_overlayer_lowered  }
0x9c: {  	s22 =	simm.s32 $0x1BFF;
	s21 =	sshll.u32 s7, $0x1;
	s4 =	sadd.s32 s5, s19  }
0x9d: {  	s8 =	simm.s32 $0x0;
	s20 =	sshll.u32 s6, $0x1;
	s6 =	sadd.s32 s21, s4  }
0x9e: {  	[timem:s8], [sflag:s22] =	dma.local [hbm:s6], s20  }
0x9f: {  	_ =	swait.ge [sflag:s22], s20  }
0xa0: {  	s5 =	ssub.s32 $0x0, s20;
	[sflag:s22] =	ssyncset.done $0x0  }
0xa1: {  	[sflag:s22] =	ssyncadd.s32 s5;
	_ =	sdelay $0x1  }
0xa2: {  	s23 =	simm.s32 $0x1B8B  }
0xa3: {  	_ =	swait.ge [sflag:s23], $0x1  }
0xa4: {  	[sflag:s23] =	ssyncset.done $0x0  }
0xa5: {  	s25 =	simm.s32 $0x1B8E;
	s24 =	sld [smem:$0x3FFE];
	[sflag:s23] =	ssyncadd.s32 $0xFFFFFFFF  }
0xa6: {  	s26 =	simm.s32 $execute0_lowered;
	[smem:$0x3FD2] =	sst s25  }
0xa7: {  	s6 =	sshll.u32 s26, $0x1;
	_ =	strace $0x80000046;
	[dreg:$0x1] =	wrdreg $0xFFFFFFFF  }
0xa8: {  	s28 =	simm.s32 $_size_execute0_lowered;
	s4 =	sadd.s32 s4, s6;
	[dreg:$0x0] =	wrdreg $0x0  }
0xa9: {  	s6 =	sshll.u32 s28, $0x1;
	[dreg:$0x2] =	wrdreg s4  }
0xaa: {  	[dreg:$0x3] =	wrdreg s6  }
0xab: {  	[dreg:$0x4] =	wrdreg $0xC0  }
0xac: {  	_ =	task [dreg:s8], $0x5FFFF  }
0xad: {  	[dreg:$0x1] =	wrdreg $0xFFFFFFFF  }
0xae: {  	[dreg:$0x0] =	wrdreg $0x60  }
0xaf: {  	[dreg:$0x2] =	wrdreg s24  }
0xb0: {  	[dreg:$0x3] =	wrdreg s2  }
0xb1: {  	[dreg:$0x4] =	wrdreg s18  }
0xb2: {  	[dreg:$0x5] =	wrdreg $0x9  }
0xb3: {  	_ =	task.clear_ibuf [dreg:s8], $0x6FFFF;
	_ =	strace $0x90000046  }
0xb4: {  	s29 =	simm.s32 $0x9;
	_ =	strace $0x80000048  }
0xb5: {  	_ =	swait.ge [sflag:s29], $0x1  }
0xb6: {  	[sflag:s29] =	ssyncadd.s32 $0xFFFFFFFF  }
0xb7: {  	_ =	strace $0x90000048  }
0xb8: {  	_ =	sfence  }
0xb9: {  	s30 =	sld [smem:$0x0];
	_ =	sdelay $0x2  }
0xba: {  	s31 =	sshll.u32 s1, $0xD;
	s1 =	sshrl.u32 s1, $0x2  }
0xbb: {  	s3 =	sand.u32 $0x4000, s31;
	s1 =	sadd.s32 s1, s30  }
0xbc: {  	s0 =	sor.u32 s3, s0;
	s1 =	sshll.u32 s1, $0x11  }
0xbd: {  	s0 =	sor.u32 s1, s0  }
0xbe: {  	s0 =	sadd.s32 $0x8F2B, s0  }
0xbf: {  	[sflag:s0] =	ssyncadd.remote.s32 $0x1  }
0xc0: {  	_ =	sfence.sel $0xFFFF  }
0xc1: {  	[dreg:$0x0] =	wrdreg $0xFFFFFFFF;
	(pc) =	sbr.abs _section_cstart, $3  }
0xc2: {  	[dreg:$0x1] =	wrdreg $0xFFFFFFFF  }
0xc3: {  	_ =	task.clear_ibuf [dreg:s8], $0x2FFFF;
	_ =	strace $0x9FFFFFFF  }
0xc4: {  	(tm) =	ssettm $0x7FFFFFFF  }
0xc5: {  	_ =	shalt  }
tec
execute0_lowered:
.L_overlay_start_1:
0x0: {  	(tag) =	ssettag $0x1  }
0x1: {  	s1 =	srdreg.scid;
	s4 =	rddreg [dreg:$0x0]  }
0x2: {  	s0 =	stileid.u32;
	s2 =	rddreg [dreg:$0x1]  }
0x3: {  	s7 =	rddreg [dreg:$0x2];
	s3 =	simm.s32 $0x0;
	s13 =	simm.s32 $0xA400  }
0x4: {  	s14 =	simm.s32 $0x1;
	s15 =	simm.s32 $0x100;
	s16 =	simm.s32 $0xE400  }
0x5: {  	s17 =	simm.s32 $0x180;
	s18 =	simm.s32 $0x12400;
	s19 =	simm.s32 $0x2  }
0x6: {  	s20 =	simm.s32 $0x3;
	s21 =	simm.s32 $0x200;
	s22 =	simm.s32 $0x280  }
0x7: {  	s23 =	simm.s32 $0x4;
	s24 =	simm.s32 $0x0;
	s10 =	smul.u32 $0xC8, s0  }
0x8: {  	s5 =	sand.u32 $0x1, s1;
	s1 =	rddreg [dreg:$0x3];
	s29 =	smul.u32 $0xC8000, s0  }
0x9: {  	s26 =	sshll.u32 s0, $0x1;
	[smem:$0x7FF] =	sst s3;
	s12 =	smul.u32 $0x64, s5  }
0xa: {  	s6 =	sor.u32 s5, s26;
	s9 =	ssub.s32 $0x2, s5;
	s30 =	smul.u32 $0x64000, s5  }
0xb: {  	_ =	strace $0x80000047;
	s8 =	smul.u32 $0xC80, s6;
	s11 =	sshrl.u32 s9, $0x1  }
0xc: {  	s6 =	smul.u32 $0x64000, s6;
	s28 =	ssub.s32 s9, s11;
	s10 =	sadd.s32 s12, s10  }
.Ltmp0:
0xd: {  	s9 =	sadd.s32 s29, s7;
	s11 =	simm.s32 $0x80;
	(pc) =	sbr.rel .LBB2_1-.Ltmp0, $4  }
0xe: {  	s12 =	simm.s32 $0x6400;
	s4 =	sadd.s32 s8, s4;
	s5 =	smax.u32 s28, $0x1  }
0xf: {  	s31 =	sshll.u32 s10, $0xC;
	s6 =	sadd.s32 s7, s6;
	s9 =	sadd.s32 s30, s9  }
0x10: {  	s10 =	simm.s32 $0x5;
	s4 =	sadd.s32 $0x400, s4;
	s8 =	sadd.s32 s31, s7  }
0x11: {  	s7 =	sadd.s32 $0x1000, s6;
	s9 =	sadd.s32 $0x2000, s9;
	s8 =	sadd.s32 $0x3000, s8  }
.LBB2_4:
0x12: {  	s24 =	sadd.s32 $0x1, s24  }
0x13: {  	p0 =	sne.s32 s24, s5  }
.Ltmp1:
0x14: {  	_ = 	snop;
	(pc) =	sbr.rel @!p0 .LBB2_5-.Ltmp1, $4  }
0x15: {  	_ = 	snop  }
0x16: {  	_ =	swait.ge [sflag:s23], $0x8000  }
0x17: {  	[sflag:s23] =	ssyncset.done $0x0  }
0x18: {  	[sflag:s23] =	ssyncadd.s32 $0xFFFF8000  }
.LBB2_1:
0x19: {  	[tilespmem:s3], [sflag:$0x5] =	stream.linear.gather [hbm4b:s4+s3], $0x6400, $0x38;
	[tilespmem:$0x16400] =	vst v63  }
0x1a: {  	_ =	swait.ge [sflag:s10], $0x6400  }
0x1b: {  	[sflag:s10] =	ssyncset.done $0x0  }
0x1c: {  	[sflag:s10] =	ssyncadd.s32 $0xFFFF9C00  }
0x1d: {  	[tilespmem:s12], [sflag:$0x1] =	stream.indirect.gather [hbm4b:s2+s11], $0x80, s3, s11, $0xb8;
	[tilespmem:$0x16400] =	vst v63  }
0x1e: {  	_ = 	snop  }
0x1f: {  	[tilespmem:s13], [sflag:$0x1] =	stream.indirect.gather [hbm4b:s2+s11], $0x80, s11, s11, $0xb8;
	[tilespmem:$0x16400] =	vst v63  }
0x20: {  	_ =	swait.ge [sflag:s14], $0x4000  }
0x21: {  	[sflag:s14] =	ssyncset.done $0x0  }
0x22: {  	[sflag:s14] =	ssyncadd.s32 $0xFFFFC000  }
0x23: {  	_ =	swait.ge [sflag:s14], $0x4000  }
0x24: {  	[sflag:s14] =	ssyncset.done $0x0  }
0x25: {  	[sflag:s14] =	ssyncadd.s32 $0xFFFFC000  }
0x26: {  	[hbm4b:s6+s3] =	stream.linear.scatter [tilespmem:s12], [sflag:$0x3], $0x8000, $0x38;
	[tilespmem:$0x16400] =	vst v63  }
0x27: {  	_ = 	snop  }
0x28: {  	[tilespmem:s16], [sflag:$0x2] =	stream.indirect.gather [hbm4b:s2+s11], $0x80, s15, s11, $0xb8;
	[tilespmem:$0x16400] =	vst v63  }
0x29: {  	_ = 	snop  }
0x2a: {  	[tilespmem:s18], [sflag:$0x2] =	stream.indirect.gather [hbm4b:s2+s11], $0x80, s17, s11, $0xb8;
	[tilespmem:$0x16400] =	vst v63  }
0x2b: {  	_ =	swait.ge [sflag:s19], $0x4000  }
0x2c: {  	[sflag:s19] =	ssyncset.done $0x0  }
0x2d: {  	[sflag:s19] =	ssyncadd.s32 $0xFFFFC000  }
0x2e: {  	_ =	swait.ge [sflag:s19], $0x4000  }
0x2f: {  	[sflag:s19] =	ssyncset.done $0x0  }
0x30: {  	[sflag:s19] =	ssyncadd.s32 $0xFFFFC000  }
0x31: {  	[hbm4b:s7+s3] =	stream.linear.scatter [tilespmem:s16], [sflag:$0x4], $0x8000, $0x38;
	[tilespmem:$0x16400] =	vst v63  }
0x32: {  	_ =	swait.ge [sflag:s20], $0x8000  }
0x33: {  	[sflag:s20] =	ssyncset.done $0x0  }
0x34: {  	[sflag:s20] =	ssyncadd.s32 $0xFFFF8000  }
0x35: {  	[tilespmem:s12], [sflag:$0x1] =	stream.indirect.gather [hbm4b:s2+s11], $0x80, s21, s11, $0xb8;
	[tilespmem:$0x16400] =	vst v63  }
0x36: {  	s25 =	smov.u32 s9;
	s26 =	smov.u32 s8;
	s28 =	simm.s32 $0x0  }
0x37: {  	[tilespmem:s13], [sflag:$0x1] =	stream.indirect.gather [hbm4b:s2+s11], $0x80, s22, s11, $0xb8;
	[tilespmem:$0x16400] =	vst v63  }
.LBB2_2:
0x38: {  	_ =	swait.ge [sflag:s14], $0x4000  }
0x39: {  	[sflag:s14] =	ssyncset.done $0x0  }
0x3a: {  	[sflag:s14] =	ssyncadd.s32 $0xFFFFC000  }
0x3b: {  	_ =	swait.ge [sflag:s14], $0x4000  }
0x3c: {  	[sflag:s14] =	ssyncset.done $0x0  }
0x3d: {  	[sflag:s14] =	ssyncadd.s32 $0xFFFFC000  }
0x3e: {  	[hbm4b:s25+s3] =	stream.linear.scatter [tilespmem:s12], [sflag:$0x3], $0x8000, $0x38;
	[tilespmem:$0x16400] =	vst v63  }
0x3f: {  	_ =	swait.ge [sflag:s23], $0x8000  }
0x40: {  	s29 =	sshra.s32 s28, $0x2;
	[sflag:s23] =	ssyncset.done $0x0  }
0x41: {  	s30 =	sadd.s32 $0x300, s29;
	[sflag:s23] =	ssyncadd.s32 $0xFFFF8000  }
0x42: {  	[tilespmem:s16], [sflag:$0x2] =	stream.indirect.gather [hbm4b:s2+s11], $0x80, s30, s11, $0xb8;
	[tilespmem:$0x16400] =	vst v63  }
0x43: {  	s31 =	sadd.s32 $0x380, s29  }
0x44: {  	[tilespmem:s18], [sflag:$0x2] =	stream.indirect.gather [hbm4b:s2+s11], $0x80, s31, s11, $0xb8;
	[tilespmem:$0x16400] =	vst v63  }
0x45: {  	_ =	swait.ge [sflag:s19], $0x4000  }
0x46: {  	[sflag:s19] =	ssyncset.done $0x0  }
0x47: {  	[sflag:s19] =	ssyncadd.s32 $0xFFFFC000  }
0x48: {  	_ =	swait.ge [sflag:s19], $0x4000  }
0x49: {  	p0 =	seq.s32 s28, $0x18000;
	[sflag:s19] =	ssyncset.done $0x0  }
.Ltmp2:
0x4a: {  	[sflag:s19] =	ssyncadd.s32 $0xFFFFC000;
	(pc) =	sbr.rel @p0 .LBB2_4-.Ltmp2, $4  }
0x4b: {  	[hbm4b:s26+s3] =	stream.linear.scatter [tilespmem:s16], [sflag:$0x4], $0x8000, $0x38;
	[tilespmem:$0x16400] =	vst v63  }
0x4c: {  	_ =	swait.ge [sflag:s20], $0x8000  }
0x4d: {  	[sflag:s20] =	ssyncset.done $0x0  }
0x4e: {  	[sflag:s20] =	ssyncadd.s32 $0xFFFF8000  }
.Ltmp3:
0x4f: {  	(pc) =	sbr.rel .LBB2_2-.Ltmp3, $4  }
0x50: {  	s30 =	sadd.s32 $0x400, s29;
	s31 =	sadd.s32 $0x480, s29  }
0x51: {  	[tilespmem:s12], [sflag:$0x1] =	stream.indirect.gather [hbm4b:s2+s11], $0x80, s30, s11, $0xb8;
	[tilespmem:$0x16400] =	vst v63  }
0x52: {  	s28 =	sadd.s32 $0x800, s28;
	s26 =	sadd.s32 $0x2000, s26;
	s25 =	sadd.s32 $0x2000, s25  }
0x53: {  	[tilespmem:s13], [sflag:$0x1] =	stream.indirect.gather [hbm4b:s2+s11], $0x80, s31, s11, $0xb8;
	[tilespmem:$0x16400] =	vst v63  }
.LBB2_5:
0x54: {  	_ =	sfence.sel $0x180000  }
0x55: {  	[bflag:$0x0] =	sbarrier.arrive $0xFFFF  }
0x56: {  	p0 =	sne.s32 s0, $0x0;
	_ =	strace $0x90000047  }
0x57: {  	s0 =	sadd.s32 @!p0 $0x100000, s1;
	[bflag:$0x2] =	sbarrier.arrive $0xFFFF  }
0x58: {  	[sflag:s0] =	ssyncadd.tile.s32 @!p0 $0x1;
	_ =	shalt  }
.Lfunc_end2:
_tile_overlayer_lowered:
.L_overlay_start_2:
0x59: {  	(tag) =	ssettag $0x2  }
0x5a: {  	s0 =	rddreg [dreg:$0x0];
	s2 =	stileid.u32  }
0x5b: {  	s1 =	rddreg [dreg:$0x1];
	p0 =	sne.s32 s2, $0x0  }
0x5c: {  	s3 =	rddreg [dreg:$0x2];
	[bflag:$0x3] =	sbarrier.arrive $0xFFFF;
	s2 =	simm.s32 @!p0 $0x1C05  }
0x5d: {  	[timem:s3], [sflag:s2] =	dma.local @!p0 [hbm:s0], s1  }
0x5e: {  	s0 =	simm.s32 @!p0 $0x5  }
0x5f: {  	_ =	swait.ge @!p0 [sflag:s0], s1  }
0x60: {  	s1 =	ssub.s32 @!p0 $0x0, s1;
	[sflag:s0] =	ssyncset.done @!p0 $0x0  }
0x61: {  	[sflag:s0] =	ssyncadd.s32 @!p0 s1  }
0x62: {  	[bflag:$0x3] =	sbarrier.arrive $0xFFFF  }
0x63: {  	_ =	shalt  }

</sc_bundles>
